<compile_context>
chip_gen: v7x
topology: tpu7x:2x2x1
jax: 0.10.2.dev20260603
libtpu: 0.0.44.dev20260713+nightly
codegen_flags: <defaults>
</compile_context>

<pallas_src>
import jax
import jax.numpy as jnp
from jax.experimental import pallas as pl
from jax.experimental.pallas import tpu as pltpu


def kernel(x, offsets):
    tokens, d = x.shape
    nseg = offsets.shape[0] - 1
    sub = d // 128

    def _pool(offs_ref, x_ref, out_ref):
        out_ref[...] = x_ref[...]

    grid_spec = pltpu.PrefetchScalarGridSpec(
        num_scalar_prefetch=1,
        grid=(nseg,),
        in_specs=[
            pl.BlockSpec((1, sub, 128), lambda i, offs: (offs[i + 1] - 1, 0, 0))
        ],
        out_specs=pl.BlockSpec((1, sub, 128), lambda i, offs: (i, 0, 0)),
    )

    out = pl.pallas_call(
        _pool,
        grid_spec=grid_spec,
        out_shape=jax.ShapeDtypeStruct((nseg, sub, 128), x.dtype),
    )(offsets.astype(jnp.int32), x.reshape(tokens, sub, 128))
    return out.reshape(nseg, d)

# --- scband reference (transcript-rebuilt; emitter-appended) ---
"""Pipeline reference for scband-varlen-pooler-16020228014424 (READ-ONLY COPY).

The authoritative reference and input builder live on the scoring server;
editing this copy changes nothing except your own understanding.
"""

import jax, jax.numpy as jnp
import numpy as np

TOTAL_TOKENS = 8192
D = 1024
B = 8

def setup_inputs(seed: int = 0) -> dict:
    key = jax.random.key(seed)
    x = jax.random.normal(key, (TOTAL_TOKENS, D), dtype=jnp.float32)
    # strictly increasing offsets: 0 ... TOTAL_TOKENS with B segments (all nonempty)
    rng = np.random.default_rng(0)
    interior = np.sort(rng.choice(np.arange(1, TOTAL_TOKENS), size=B - 1, replace=False))
    offsets = jnp.asarray(np.concatenate([[0], interior, [TOTAL_TOKENS]]), dtype=jnp.int64)
    return {"x": x, "offsets": offsets}

def reference(x, offsets):
    # VarlenPooler: take the last token of each ragged segment.
    # segment i = x[offsets[i]:offsets[i+1]]; pooled_i = segment[-1] = x[offsets[i+1]-1]
    gather_idx = offsets[1:] - 1
    return jnp.take(x, gather_idx, axis=0)

if __name__ == "__main__":
    import jax
    _d = setup_inputs()
    print(jax.jit(kernel)(*tuple(_d.values())))

</pallas_src>

<mosaic_0001>
module attributes {stable_mosaic.version = 14 : i64} {
  func.func @_pool(%arg0: i32, %arg1: memref<9xi32, #tpu.memory_space<smem>>, %arg2: memref<1x8x128xf32, #tpu.memory_space<vmem>>, %arg3: memref<1x8x128xf32, #tpu.memory_space<vmem>>) attributes {dimension_semantics = [#tpu.dimension_semantics<arbitrary>], iteration_bounds = array<i64: 8>, scalar_prefetch = 1 : i64, scratch_operands = 0 : i64, tpu.core_type = #tpu.core_type<tc>, window_params = [{transform_indices = @transform_0, window_bounds = array<i64: 1, 8, 128>}, {transform_indices = @transform_1, window_bounds = array<i64: 1, 8, 128>}]} {
    %get3A = arith.constant 0 : index
    %get3A_0 = arith.constant 0 : index
    %get3A_1 = arith.constant 0 : index
    %get3A_2 = vector.load %arg2[%get3A, %get3A_0, %get3A_1] : memref<1x8x128xf32, #tpu.memory_space<vmem>>, vector<1x8x128xf32>
    %swap3A = arith.constant 0 : index
    %swap3A_3 = arith.constant 0 : index
    %swap3A_4 = arith.constant 0 : index
    %swap3A_5 = vector.load %arg3[%swap3A, %swap3A_3, %swap3A_4] : memref<1x8x128xf32, #tpu.memory_space<vmem>>, vector<1x8x128xf32>
    tpu.vector_store %arg3[%swap3A, %swap3A_3, %swap3A_4], %get3A_2 {strides = array<i32>} : memref<1x8x128xf32, #tpu.memory_space<vmem>>, vector<1x8x128xf32>,
    return
  }
  func.func @transform_0(%arg0: i32, %arg1: memref<9xi32, #tpu.memory_space<smem>>) -> (i32, i32, i32) {
    %add3A = arith.constant 1 : i32
    %add3A_0 = arith.addi %arg0, %add3A : i32
    %get3A = arith.index_cast %add3A_0 : i32 to index
    %get3A_1 = memref.load %arg1[%get3A] : memref<9xi32, #tpu.memory_space<smem>>
    %sub3A = arith.constant 1 : i32
    %sub3A_2 = arith.subi %get3A_1, %sub3A : i32
    %c0_i32 = arith.constant 0 : i32
    %c0_i32_3 = arith.constant 0 : i32
    %c0_i32_4 = arith.constant 0 : i32
    return %sub3A_2, %c0_i32, %c0_i32_3 : i32, i32, i32
  }
  func.func @transform_1(%arg0: i32, %arg1: memref<9xi32, #tpu.memory_space<smem>>) -> (i32, i32, i32) {
    %c0_i32 = arith.constant 0 : i32
    %c0_i32_0 = arith.constant 0 : i32
    %c0_i32_1 = arith.constant 0 : i32
    return %arg0, %c0_i32, %c0_i32_0 : i32, i32, i32
  }
}

</mosaic_0001>

<sc_bundles>
// kernel: sparse-core-data-format-call.cloned.1.call-start
scs
called_computation_lowered:
.L_overlay_start_0:
0x0: {  	s2 =	sld [smem:$0x3FD9]  }
0x1: {  	s3 =	sld [smem:$0x3FFE];
	_ =	sdelay $0x1  }
0x2: {  	s1 =	srdreg.scid  }
0x3: {  	s0 =	sand.u32 $0x1, s1  }
0x4: {  	s18 =	sshll.u32 s0, $0xA;
	s2 =	sadd.s32 s3, s2  }
0x5: {  	s2 =	sadd.s32 s2, s18  }
0x6: {  	[smem:$0x3FC6] =	sst s2  }
0x7: {  	_ = 	snop  }
0x8: {  	s2 =	sld [smem:$0x3FC9];
	(tm) =	ssettm $0x1  }
0x9: {  	s19 =	sld [smem:$0x3FFB];
	_ =	sdelay $0x3  }
0xa: {  	_ =	strace s19  }
0xb: {  	s3 =	sld [smem:$0x3FFC];
	_ =	sdelay $0x3  }
0xc: {  	_ =	strace s3  }
0xd: {  	s3 =	sld [smem:$0x3FFD];
	_ =	sdelay $0x3  }
0xe: {  	_ =	strace s3  }
0xf: {  	_ =	strace $0x8FFFFFFF  }
0x10: {  	s20 =	sld [smem:$0x3FDB];
	_ =	sdelay $0x1  }
0x11: {  	s4 =	simm.s32 $_scs_section_size  }
0x12: {  	s5 =	simm.s32 $_size__tile_overlayer_lowered;
	s6 =	simm.s32 $_tile_overlayer_lowered  }
0x13: {  	s23 =	simm.s32 $0x1BFF;
	s22 =	sshll.u32 s6, $0x1;
	s3 =	sadd.s32 s4, s20  }
0x14: {  	s7 =	simm.s32 $0x0;
	s21 =	sshll.u32 s5, $0x1;
	s5 =	sadd.s32 s22, s3  }
0x15: {  	[timem:s7], [sflag:s23] =	dma.local [hbm:s5], s21  }
0x16: {  	_ =	swait.ge [sflag:s23], s21  }
0x17: {  	s4 =	ssub.s32 $0x0, s21;
	[sflag:s23] =	ssyncset.done $0x0  }
0x18: {  	[sflag:s23] =	ssyncadd.s32 s4;
	_ =	sdelay $0x1  }
0x19: {  	s24 =	simm.s32 $0x1B8B  }
0x1a: {  	_ =	swait.ge [sflag:s24], $0x1  }
0x1b: {  	[sflag:s24] =	ssyncset.done $0x0  }
0x1c: {  	s26 =	simm.s32 $0x1B8E;
	s25 =	sld [smem:$0x3FFE];
	[sflag:s24] =	ssyncadd.s32 $0xFFFFFFFF  }
0x1d: {  	s27 =	simm.s32 $execute0_lowered;
	[smem:$0x3FD2] =	sst s26  }
0x1e: {  	s5 =	sshll.u32 s27, $0x1;
	_ =	strace $0x80000046;
	[dreg:$0x1] =	wrdreg $0xFFFFFFFF  }
0x1f: {  	s28 =	simm.s32 $_size_execute0_lowered;
	s3 =	sadd.s32 s3, s5;
	[dreg:$0x0] =	wrdreg $0x0  }
0x20: {  	s5 =	sshll.u32 s28, $0x1;
	[dreg:$0x2] =	wrdreg s3  }
0x21: {  	[dreg:$0x3] =	wrdreg s5  }
0x22: {  	[dreg:$0x4] =	wrdreg $0xC0  }
0x23: {  	_ =	task [dreg:s7], $0x5FFFF  }
0x24: {  	[dreg:$0x1] =	wrdreg $0xFFFFFFFF  }
0x25: {  	[dreg:$0x0] =	wrdreg $0x60  }
0x26: {  	[dreg:$0x2] =	wrdreg s2  }
0x27: {  	[dreg:$0x3] =	wrdreg s25  }
0x28: {  	[dreg:$0x4] =	wrdreg $0x9  }
0x29: {  	_ =	task.clear_ibuf [dreg:s7], $0x5FFFF;
	_ =	strace $0x90000046  }
0x2a: {  	s29 =	simm.s32 $0x9;
	_ =	strace $0x80000048  }
0x2b: {  	_ =	swait.ge [sflag:s29], $0x1  }
0x2c: {  	[sflag:s29] =	ssyncadd.s32 $0xFFFFFFFF  }
0x2d: {  	_ =	strace $0x90000048  }
0x2e: {  	_ =	sfence  }
0x2f: {  	s30 =	sld [smem:$0x0];
	_ =	sdelay $0x2  }
0x30: {  	s31 =	sshll.u32 s1, $0xD;
	s1 =	sshrl.u32 s1, $0x2  }
0x31: {  	s3 =	sand.u32 $0x4000, s31;
	s1 =	sadd.s32 s1, s30  }
0x32: {  	s0 =	sor.u32 s3, s0;
	s1 =	sshll.u32 s1, $0x11  }
0x33: {  	s0 =	sor.u32 s1, s0  }
0x34: {  	s0 =	sadd.s32 $0x8F2B, s0  }
0x35: {  	[sflag:s0] =	ssyncadd.remote.s32 $0x1  }
0x36: {  	_ =	sfence.sel $0xFFFF  }
0x37: {  	[dreg:$0x0] =	wrdreg $0xFFFFFFFF;
	(pc) =	sbr.abs _section_cstart, $3  }
0x38: {  	[dreg:$0x1] =	wrdreg $0xFFFFFFFF  }
0x39: {  	_ =	task.clear_ibuf [dreg:s7], $0x2FFFF;
	_ =	strace $0x9FFFFFFF  }
0x3a: {  	(tm) =	ssettm $0x7FFFFFFF  }
0x3b: {  	_ =	shalt  }
tec
execute0_lowered:
.L_overlay_start_1:
0x0: {  	(tag) =	ssettag $0x1  }
0x1: {  	s0 =	srdreg.scid  }
0x2: {  	s1 =	sshll.u32 s0, $0x4  }
0x3: {  	s2 =	rddreg [dreg:$0x0];
	s0 =	stileid.u32;
	s1 =	sand.u32 $0x10, s1  }
0x4: {  	s4 =	rddreg [dreg:$0x1];
	s7 =	simm.s32 $0x1;
	s1 =	sor.u32 s0, s1  }
0x5: {  	s8 =	simm.s32 $0x2;
	s9 =	simm.s32 $0x0;
	s3 =	sshll.u32 s1, $0x1  }
0x6: {  	s12 =	simm.s32 $0x0;
	s11 =	simm.s32 $0x0;
	s6 =	ssub.s32 $0x400, s3  }
.Ltmp0:
0x7: {  	s4 =	sadd.s32 $0x600, s4;
	s5 =	sand.u32 $0x3E, s6;
	(pc) =	sbr.rel .LBB1_1-.Ltmp0, $4  }
0x8: {  	s1 =	rddreg [dreg:$0x2];
	_ =	strace $0x80000047;
	p0 =	sne.s32 s5, $0x0  }
0x9: {  	s6 =	sshrl.u32 s6, $0x6;
	s5 =	simm.s32 $0x1;
	s7 =	simm.s32 @!p0 $0x0  }
0xa: {  	s10 =	smov.u32 s3;
	[sflag:s5] =	ssyncpa.u1 $0x0;
	s6 =	sadd.s32 s7, s6  }
0xb: {  	[sflag:s8] =	ssyncpa.u1 $0x0;
	s8 =	simm.s32 $0x0;
	s7 =	sadd.s32 $0x1, s6  }
.LBB1_9:
0xc: {  	s14 =	sadd.s32 $0x40, s10  }
0xd: {  	p1 =	sgt.s32 s14, $0x3FF  }
0xe: {  	s14 =	smov.u32 @p1 s3;
	p1 =	sne.s32 s11, s7  }
.Ltmp1:
0xf: {  	p0 =	slt.u32 s11, $0x2;
	(pc) =	sbr.rel @!p1 .LBB1_10-.Ltmp1, $4  }
0x10: {  	s13 =	simm.s32 @!p0 $0x2  }
0x11: {  	s15 =	sadd.s32 $0x1, s11;
	_ =	swait.ge @!p0 [sflag:s13], $0x4000  }
0x12: {  	s12 =	smov.u32 s10;
	s9 =	sadd.s32 $0x4000, s9;
	[sflag:s13] =	ssyncset.done @!p0 $0x0  }
0x13: {  	s11 =	smov.u32 s15;
	s10 =	smov.u32 s14;
	[sflag:s13] =	ssyncadd.s32 @!p0 $0xFFFFC000  }
.LBB1_1:
0x14: {  	p0 =	sge.u32 s11, s6  }
0x15: {  	s13 =	sxor.u32 @!p0 $0xFFFFFFFF, s11  }
0x16: {  	s31 =	sadd.s32 $0xFFFFFFFF, s11;
	s14 =	sshll.u32 @!p0 s10, $0xA;
	s13 =	sshll.u32 @!p0 s13, $0xE  }
0x17: {  	s15 =	simm.s32 @!p0 $0x0;
	s14 =	sadd.s32 @!p0 s2, s14;
	s13 =	sand.u32 @!p0 $0x4000, s13  }
0x18: {  	[tilespmem:s13], [sflag:$0x1] =	stream.linear.gather @!p0 [hbm4b:s14+s15], $0x4000, $0x38;
	[tilespmem:$0x10000] =	vst v63  }
0x19: {  	p0 =	sge.u32 s31, s6  }
.Ltmp2:
0x1a: {  	_ = 	snop;
	(pc) =	sbr.rel @p0 .LBB1_9-.Ltmp2, $1  }
0x1b: {  	_ =	sdelay $0x3  }
0x1c: {  	s13 =	sshll.u32 s9, $0x2  }
0x1d: {  	_ =	swait.ge [sflag:s5], $0x4000;
	s14 =	sshll.u32 s11, $0xE;
	s16 =	simm.s32 $0x0  }
0x1e: {  	p1 =	por $0x1, $0x1;
	s13 =	sand.u32 $0x10000, s13;
	[sflag:s5] =	ssyncset.done $0x0  }
0x1f: {  	s14 =	sand.u32 $0x4000, s14;
	s15 =	sshrl.u32 s13, $0x2;
	[sflag:s5] =	ssyncadd.s32 $0xFFFFC000  }
0x20: {  	s13 =	sor.u32 $0x8000, s14;
	s14 =	sadd.s32 $0x8040, s15;
	s15 =	sadd.s32 $0x40, s15  }
.LBB1_3:
0x21: {  	s16 =	sshll.u32 s16, $0x2  }
0x22: {  	p0 =	por p1, p1;
	s17 =	sshra.s32 s16, $0x2  }
0x23: {  	s18 =	simm.s32 $0x0;
	s16 =	sadd.s32 s17, s14;
	s17 =	sadd.s32 s17, s15  }
.LBB1_4:
0x24: {  	v0 =	vmov s17;
	_ =	sdelay $0x3  }
0x25: {  	s20 =	simm.s32 $0x0  }
0x26: {  	v6 =	vld.idx.msk [tilespmem:v0+s20+$0x30 ss:$0x1], $0xffff  }
0x27: {  	v7 =	vld.idx.msk [tilespmem:v0+s20+$0xFFFFFFC0 ss:$0x1], $0xffff  }
0x28: {  	v5 =	vld.idx.msk [tilespmem:v0+s20+$0xFFFFFFD0 ss:$0x1], $0xffff  }
0x29: {  	v4 =	vld.idx.msk [tilespmem:v0+s20+$0xFFFFFFE0 ss:$0x1], $0xffff  }
0x2a: {  	v3 =	vld.idx.msk [tilespmem:v0+s20+$0xFFFFFFF0 ss:$0x1], $0xffff  }
0x2b: {  	v1 =	vld.idx.msk [tilespmem:v0+s20+$0x0 ss:$0x1], $0xffff  }
0x2c: {  	v2 =	vld.idx.msk [tilespmem:v0+s20+$0x10 ss:$0x1], $0xffff;
	[tilespmem:s16+$0x30] =	vst v6  }
0x2d: {  	s19 =	simm.s32 $0x80;
	s21 =	simm.s32 $0x400;
	[tilespmem:s16+$0xFFFFFFC0] =	vst v7;
	v6 =	vld.idx.msk [tilespmem:v0+s20+$0x20 ss:$0x1], $0xffff;
	s20 =	smov.u32 s16  }
.LBB1_5:
0x2e: {  	p1 =	sne.s32 s21, $0xE00;
	v7 =	vld.idx.msk [tilespmem:v0+s19+$0x30 ss:$0x1], $0xffff;
	[tilespmem:s20+$0xFFFFFFD0] =	vst v5  }
0x2f: {  	v8 =	vld.idx.msk [tilespmem:v0+s19+$0xFFFFFFC0 ss:$0x1], $0xffff;
	[tilespmem:s20+$0xFFFFFFE0] =	vst v4  }
0x30: {  	v5 =	vld.idx.msk [tilespmem:v0+s19+$0xFFFFFFD0 ss:$0x1], $0xffff;
	[tilespmem:s20+$0xFFFFFFF0] =	vst v3  }
.Ltmp3:
0x31: {  	v4 =	vld.idx.msk [tilespmem:v0+s19+$0xFFFFFFE0 ss:$0x1], $0xffff;
	[tilespmem:s20+$0x0] =	vst v1;
	(pc) =	sbr.rel @p1 .LBB1_5-.Ltmp3, $4  }
0x32: {  	v3 =	vld.idx.msk [tilespmem:v0+s19+$0xFFFFFFF0 ss:$0x1], $0xffff;
	[tilespmem:s20+$0x10] =	vst v2  }
0x33: {  	v1 =	vld.idx.msk [tilespmem:v0+s19+$0x0 ss:$0x1], $0xffff;
	[tilespmem:s20+$0x20] =	vst v6;
	s20 =	sadd.s32 $0x400, s20  }
0x34: {  	v2 =	vld.idx.msk [tilespmem:v0+s19+$0x10 ss:$0x1], $0xffff;
	[tilespmem:s20+$0x30] =	vst v7  }
0x35: {  	[tilespmem:s20+$0xFFFFFFC0] =	vst v8;
	v6 =	vld.idx.msk [tilespmem:v0+s19+$0x20 ss:$0x1], $0xffff;
	s19 =	sshra.s32 s21, $0x2;
	s21 =	sadd.s32 $0x200, s21  }
0x36: {  	_ =	sdelay $0x2  }
0x37: {  	[tilespmem:s20+$0xFFFFFFD0] =	vst v5  }
0x38: {  	v56 =	vld.idx.msk [tilespmem:v0+s19+$0x30 ss:$0x1], $0xffff;
	[tilespmem:s20+$0xFFFFFFE0] =	vst v4  }
0x39: {  	v57 =	vld.idx.msk [tilespmem:v0+s19+$0xFFFFFFC0 ss:$0x1], $0xffff;
	[tilespmem:s20+$0xFFFFFFF0] =	vst v3  }
0x3a: {  	v58 =	vld.idx.msk [tilespmem:v0+s19+$0xFFFFFFD0 ss:$0x1], $0xffff;
	[tilespmem:s20+$0x0] =	vst v1  }
0x3b: {  	v59 =	vld.idx.msk [tilespmem:v0+s19+$0xFFFFFFE0 ss:$0x1], $0xffff;
	[tilespmem:s20+$0x10] =	vst v2  }
0x3c: {  	v60 =	vld.idx.msk [tilespmem:v0+s19+$0xFFFFFFF0 ss:$0x1], $0xffff;
	s31 =	sadd.s32 $0x400, s20;
	[tilespmem:s20+$0x20] =	vst v6  }
0x3d: {  	v61 =	vld.idx.msk [tilespmem:v0+s19+$0x0 ss:$0x1], $0xffff;
	[tilespmem:s31+$0x30] =	vst v56  }
0x3e: {  	v62 =	vld.idx.msk [tilespmem:v0+s19+$0x10 ss:$0x1], $0xffff;
	s18 =	sadd.s32 $0x1, s18;
	[tilespmem:s31+$0xFFFFFFC0] =	vst v57  }
0x3f: {  	v63 =	vld.idx.msk [tilespmem:v0+s19+$0x20 ss:$0x1], $0xffff;
	p1 =	sne.s32 s18, $0x8;
	[tilespmem:s31+$0xFFFFFFD0] =	vst v58  }
.Ltmp4:
0x40: {  	[tilespmem:s31+$0xFFFFFFE0] =	vst v59;
	(pc) =	sbr.rel @p1 .LBB1_4-.Ltmp4, $4  }
0x41: {  	[tilespmem:s31+$0xFFFFFFF0] =	vst v60  }
0x42: {  	[tilespmem:s31+$0x0] =	vst v61  }
0x43: {  	[tilespmem:s31+$0x10] =	vst v62  }
0x44: {  	s16 =	sadd.s32 $0x80, s16;
	s17 =	sadd.s32 $0x400, s17;
	[tilespmem:s31+$0x20] =	vst v63  }
.Ltmp5:
0x45: {  	(pc) =	sbr.rel @p0 .LBB1_3-.Ltmp5, $2  }
0x46: {  	_ =	sdelay $0x2  }
0x47: {  	s16 =	simm.s32 $0x2000;
	p1 =	por $0x0, $0x0  }
.Ltmp6:
0x48: {  	(pc) =	sbr.rel .LBB1_9-.Ltmp6, $4  }
0x49: {  	_ = 	snop  }
0x4a: {  	s12 =	sshll.u32 s12, $0xA  }
0x4b: {  	s12 =	sadd.s32 s4, s12  }
0x4c: {  	[hbm4b:s12+s8] =	stream.linear.scatter [tilespmem:s13], [sflag:$0x2], $0x4000, $0x38;
	[tilespmem:$0x10000] =	vst v63  }
.LBB1_10:
0x4d: {  	_ =	sfence.sel $0x180000  }
0x4e: {  	s2 =	simm.s32 $0x1;
	[bflag:$0x0] =	sbarrier.arrive $0xFFFF  }
0x4f: {  	s31 =	simm.s32 $0x2;
	[sflag:s2] =	ssyncpa.u1 $0x1  }
0x50: {  	[sflag:s31] =	ssyncpa.u1 $0x1  }
0x51: {  	p0 =	sne.s32 s0, $0x0;
	_ =	strace $0x90000047  }
0x52: {  	s0 =	sadd.s32 @!p0 $0x100000, s1;
	[bflag:$0x2] =	sbarrier.arrive $0xFFFF  }
0x53: {  	[sflag:s0] =	ssyncadd.tile.s32 @!p0 $0x1;
	_ =	shalt  }
.Lfunc_end1:
_tile_overlayer_lowered:
.L_overlay_start_2:
0x54: {  	(tag) =	ssettag $0x2  }
0x55: {  	s0 =	rddreg [dreg:$0x0];
	s2 =	stileid.u32  }
0x56: {  	s1 =	rddreg [dreg:$0x1];
	p0 =	sne.s32 s2, $0x0  }
0x57: {  	s3 =	rddreg [dreg:$0x2];
	[bflag:$0x3] =	sbarrier.arrive $0xFFFF;
	s2 =	simm.s32 @!p0 $0x1C01  }
0x58: {  	[timem:s3], [sflag:s2] =	dma.local @!p0 [hbm:s0], s1  }
0x59: {  	s0 =	simm.s32 @!p0 $0x1  }
0x5a: {  	_ =	swait.ge @!p0 [sflag:s0], s1  }
0x5b: {  	s1 =	ssub.s32 @!p0 $0x0, s1;
	[sflag:s0] =	ssyncset.done @!p0 $0x0  }
0x5c: {  	[sflag:s0] =	ssyncadd.s32 @!p0 s1  }
0x5d: {  	[bflag:$0x3] =	sbarrier.arrive $0xFFFF  }
0x5e: {  	_ =	shalt  }

</sc_bundles>
